<compile_context>
chip_gen: v7x
topology: tpu7x:2x2x1
jax: 0.10.2.dev20260603
libtpu: 0.0.44.dev20260713+nightly
codegen_flags: <defaults>
</compile_context>

<pallas_src>
import functools

import jax
import jax.numpy as jnp
from jax import lax
from jax.experimental import pallas as pl
from jax.experimental.pallas import tpu as pltpu
from jax.experimental.pallas import tpu_sc as plsc

_N = 4194304
_NW = 32
_PER_W = _N // _NW
_CHUNKS = 4
_CHUNK = _PER_W // _CHUNKS


def _patch_head(cbuf, buf):
    idxv = lax.broadcasted_iota(jnp.int32, (16,), 0)
    lane0 = idxv == 0
    num = cbuf[pl.ds(0, 16)]
    den = cbuf[pl.ds(16, 16)]
    dscale = jnp.where(lane0, 400000.0, 1.0)
    mscale = jnp.where(lane0, 0.001, 1.0)
    patch = num / (den * dscale) * mscale
    head = buf[pl.ds(0, 16)]
    buf[pl.ds(0, 16)] = jnp.where(idxv < 2, patch, head)


def _sc_body(c_hbm, w_hbm, o_hbm, cbuf, buf0, buf1, isem0, isem1, osem0,
             osem1, csem):
    wid = lax.axis_index("c") * 16 + lax.axis_index("s")
    base = wid * _PER_W
    pltpu.async_copy(c_hbm, cbuf, csem).wait()
    bufs = (buf0, buf1)
    in_sems = (isem0, isem1)
    out_sems = (osem0, osem1)
    in_cps = []
    for j in range(2):
        cp = pltpu.async_copy(
            w_hbm.at[pl.ds(base + j * _CHUNK, _CHUNK)], bufs[j], in_sems[j]
        )
        in_cps.append(cp)
    out_cps = []
    for j in range(_CHUNKS):
        in_cps[j].wait()
        if j == 0:
            @pl.when(wid == 0)
            def _():
                _patch_head(cbuf, bufs[0])
        cp = pltpu.async_copy(
            bufs[j % 2], o_hbm.at[pl.ds(base + j * _CHUNK, _CHUNK)],
            out_sems[j % 2],
        )
        out_cps.append(cp)
        if j + 2 < _CHUNKS:
            out_cps[j].wait()
            cp = pltpu.async_copy(
                w_hbm.at[pl.ds(base + (j + 2) * _CHUNK, _CHUNK)],
                bufs[j % 2],
                in_sems[j % 2],
            )
            in_cps.append(cp)
    out_cps[_CHUNKS - 2].wait()
    out_cps[_CHUNKS - 1].wait()


def kernel(y, w, c, t):
    num = jnp.concatenate([c[9:10], c[11:12], jnp.zeros((14,), jnp.float32)])
    den = jnp.concatenate([c[10:11], c[10:11], jnp.ones((14,), jnp.float32)])
    c32 = jnp.concatenate([num, den])
    k = functools.partial(
        pl.kernel,
        mesh=plsc.VectorSubcoreMesh(core_axis_name="c", subcore_axis_name="s"),
        out_type=jax.ShapeDtypeStruct((_N,), jnp.float32),
        scratch_types=[
            pltpu.VMEM((32,), jnp.float32),
            pltpu.VMEM((_CHUNK,), jnp.float32),
            pltpu.VMEM((_CHUNK,), jnp.float32),
            pltpu.SemaphoreType.DMA,
            pltpu.SemaphoreType.DMA,
            pltpu.SemaphoreType.DMA,
            pltpu.SemaphoreType.DMA,
            pltpu.SemaphoreType.DMA,
        ],
    )(_sc_body)
    return k(c32, w)

# --- scband reference (transcript-rebuilt; emitter-appended) ---
"""Pipeline reference for scband-assignment-rule-57715770524006 (READ-ONLY COPY).

The authoritative reference and input builder live on the scoring server;
editing this copy changes nothing except your own understanding.
"""

import jax, jax.numpy as jnp
import numpy as np


def setup_inputs(seed: int = 0) -> dict:
    key = jax.random.key(seed)
    k_y, k_w, k_c, k_t = jax.random.split(key, 4)
    y = jax.random.normal(k_y, (65536,), dtype=jnp.float32)
    w = jax.random.normal(k_w, (4194304,), dtype=jnp.float32)
    c = jax.random.uniform(k_c, (14,), dtype=jnp.float32)
    t = jax.random.uniform(k_t, (), dtype=jnp.float32)
    return {"y": y, "w": w, "c": c, "t": t}


def reference(y, w, c, t):
    # Faithful translation of AssignmentRule.__call__:
    # scatter-overwrite two rate-rule assignments into the working vector w.
    w = w.at[0].set(c[9] / (c[10] * 400000) * 0.001)
    w = w.at[1].set(c[11] / c[10])
    return w

if __name__ == "__main__":
    import jax
    _d = setup_inputs()
    print(jax.jit(kernel)(*tuple(_d.values())))

</pallas_src>

<mosaic_0001>
#map = affine_map<(d0, d1) -> (0)>
module attributes {stable_mosaic.version = 14 : i64} {
  func.func @_sc_body(%arg0: i32, %arg1: i32, %arg2: memref<32xf32, #tpu.memory_space<hbm>>, %arg3: memref<4194304xf32, #tpu.memory_space<hbm>>, %arg4: memref<4194304xf32, #tpu.memory_space<hbm>>, %arg5: memref<32xf32, #tpu.memory_space<vmem>>, %arg6: memref<32768xf32, #tpu.memory_space<vmem>>, %arg7: memref<32768xf32, #tpu.memory_space<vmem>>, %arg8: memref<!tpu.dma_semaphore, #tpu.memory_space<semaphore_mem>>, %arg9: memref<!tpu.dma_semaphore, #tpu.memory_space<semaphore_mem>>, %arg10: memref<!tpu.dma_semaphore, #tpu.memory_space<semaphore_mem>>, %arg11: memref<!tpu.dma_semaphore, #tpu.memory_space<semaphore_mem>>, %arg12: memref<!tpu.dma_semaphore, #tpu.memory_space<semaphore_mem>>) attributes {dimension_semantics = [#tpu.dimension_semantics<core_parallel>, #tpu.dimension_semantics<subcore_parallel>], iteration_bounds = array<i64: 2, 16>, scalar_prefetch = 0 : i64, scratch_operands = 8 : i64, tpu.core_type = #tpu.core_type<sc_vector_subcore>, window_params = [{transform_indices = #map}, {transform_indices = #map}, {transform_indices = #map}]} {
    %mul3A = arith.constant 16 : i32
    %mul3A_0 = arith.muli %arg0, %mul3A : i32
    %add3A = arith.addi %mul3A_0, %arg1 : i32
    %mul3A_1 = arith.constant 131072 : i32
    %mul3A_2 = arith.muli %add3A, %mul3A_1 : i32
    tpu.enqueue_dma source(%arg2 : memref<32xf32, #tpu.memory_space<hbm>>) target(%arg5 : memref<32xf32, #tpu.memory_space<vmem>>) target_semaphore(%arg12 : memref<!tpu.dma_semaphore, #tpu.memory_space<semaphore_mem>>)
    tpu.wait_dma2 semaphore(%arg12 : memref<!tpu.dma_semaphore, #tpu.memory_space<semaphore_mem>>) src(%arg2 : memref<32xf32, #tpu.memory_space<hbm>>) dst(%arg5 : memref<32xf32, #tpu.memory_space<vmem>>)
    %add3A_3 = arith.constant 0 : i32
    %add3A_4 = arith.addi %mul3A_2, %add3A_3 : i32
    %dma_start3A = tpu.memref_slice %arg3[%add3A_4] : memref<4194304xf32, #tpu.memory_space<hbm>> -> memref<32768xf32, #tpu.memory_space<hbm>>
    %dma_start3A_5 = tpu.memref_slice %arg3[%add3A_4] : memref<4194304xf32, #tpu.memory_space<hbm>> -> memref<32768xf32, #tpu.memory_space<hbm>>
    tpu.enqueue_dma source(%dma_start3A_5 : memref<32768xf32, #tpu.memory_space<hbm>>) target(%arg6 : memref<32768xf32, #tpu.memory_space<vmem>>) target_semaphore(%arg8 : memref<!tpu.dma_semaphore, #tpu.memory_space<semaphore_mem>>)
    %add3A_6 = arith.constant 32768 : i32
    %add3A_7 = arith.addi %mul3A_2, %add3A_6 : i32
    %dma_start3A_8 = tpu.memref_slice %arg3[%add3A_7] : memref<4194304xf32, #tpu.memory_space<hbm>> -> memref<32768xf32, #tpu.memory_space<hbm>>
    %dma_start3A_9 = tpu.memref_slice %arg3[%add3A_7] : memref<4194304xf32, #tpu.memory_space<hbm>> -> memref<32768xf32, #tpu.memory_space<hbm>>
    tpu.enqueue_dma source(%dma_start3A_9 : memref<32768xf32, #tpu.memory_space<hbm>>) target(%arg7 : memref<32768xf32, #tpu.memory_space<vmem>>) target_semaphore(%arg9 : memref<!tpu.dma_semaphore, #tpu.memory_space<semaphore_mem>>)
    %dma_wait3A = tpu.memref_slice %arg3[%add3A_4] : memref<4194304xf32, #tpu.memory_space<hbm>> -> memref<32768xf32, #tpu.memory_space<hbm>>
    %dma_wait3A_10 = tpu.memref_slice %arg3[%add3A_4] : memref<4194304xf32, #tpu.memory_space<hbm>> -> memref<32768xf32, #tpu.memory_space<hbm>>
    tpu.wait_dma2 semaphore(%arg8 : memref<!tpu.dma_semaphore, #tpu.memory_space<semaphore_mem>>) src(%dma_wait3A_10 : memref<32768xf32, #tpu.memory_space<hbm>>) dst(%arg6 : memref<32768xf32, #tpu.memory_space<vmem>>)
    %eq3A = arith.constant 0 : i32
    %eq3A_11 = arith.cmpi eq, %add3A, %eq3A : i32
    %convert_element_type3A = arith.extui %eq3A_11 : i1 to i32
    %cond3A = arith.constant 0 : i32
    %cond3A_12 = arith.cmpi ne, %convert_element_type3A, %cond3A : i32
    scf.if %cond3A_12 {
      %iota3A = tpu.iota {dimensions = array<i32: 0>} : vector<16xi32>
      %eq3A_51 = arith.constant 0 : i32
      %eq3A_52 = vector.broadcast %eq3A_51 : i32 to vector<16xi32>
      %eq3A_53 = arith.cmpi eq, %iota3A, %eq3A_52 : vector<16xi32>
      %get3A = arith.constant 0 : index
      %get3A_54 = tpu.vector_load %arg5[%get3A] {strides = array<i32>} : memref<32xf32, #tpu.memory_space<vmem>>, vector<16xf32>,
      %get3A_55 = vector.shape_cast %get3A_54 : vector<16xf32> to vector<16xf32>
      %get3A_56 = arith.constant 16 : index
      %get3A_57 = tpu.vector_load %arg5[%get3A_56] {strides = array<i32>} : memref<32xf32, #tpu.memory_space<vmem>>, vector<16xf32>,
      %get3A_58 = vector.shape_cast %get3A_57 : vector<16xf32> to vector<16xf32>
      %jit3A = arith.constant 4.000000e+05 : f32
      %jit3A_59 = arith.constant 1.000000e+00 : f32
      %broadcast_in_dim3A = vector.broadcast %jit3A : f32 to vector<16xf32>
      %broadcast_in_dim3A_60 = vector.broadcast %jit3A_59 : f32 to vector<16xf32>
      %select_n3A = arith.select %eq3A_53, %broadcast_in_dim3A, %broadcast_in_dim3A_60 : vector<16xi1>, vector<16xf32>
      %jit3A_61 = arith.constant 1.000000e-03 : f32
      %jit3A_62 = arith.constant 1.000000e+00 : f32
      %broadcast_in_dim3A_63 = vector.broadcast %jit3A_61 : f32 to vector<16xf32>
      %broadcast_in_dim3A_64 = vector.broadcast %jit3A_62 : f32 to vector<16xf32>
      %select_n3A_65 = arith.select %eq3A_53, %broadcast_in_dim3A_63, %broadcast_in_dim3A_64 : vector<16xi1>, vector<16xf32>
      %mul3A_66 = arith.mulf %get3A_58, %select_n3A : vector<16xf32>
      %div3A = arith.divf %get3A_55, %mul3A_66 : vector<16xf32>
      %mul3A_67 = arith.mulf %div3A, %select_n3A_65 : vector<16xf32>
      %get3A_68 = arith.constant 0 : index
      %get3A_69 = tpu.vector_load %arg6[%get3A_68] {strides = array<i32>} : memref<32768xf32, #tpu.memory_space<vmem>>, vector<16xf32>,
      %get3A_70 = vector.shape_cast %get3A_69 : vector<16xf32> to vector<16xf32>
      %lt3A = arith.constant 2 : i32
      %lt3A_71 = vector.broadcast %lt3A : i32 to vector<16xi32>
      %lt3A_72 = arith.cmpi slt, %iota3A, %lt3A_71 : vector<16xi32>
      %select_n3A_73 = arith.select %lt3A_72, %mul3A_67, %get3A_70 : vector<16xi1>, vector<16xf32>
      %swap3A = arith.constant 0 : index
      %swap3A_74 = tpu.vector_load %arg6[%swap3A] {strides = array<i32>} : memref<32768xf32, #tpu.memory_space<vmem>>, vector<16xf32>,
      %swap3A_75 = vector.shape_cast %swap3A_74 : vector<16xf32> to vector<16xf32>
      %swap3A_76 = vector.shape_cast %select_n3A_73 : vector<16xf32> to vector<16xf32>
      tpu.vector_store %arg6[%swap3A], %swap3A_76 {strides = array<i32>} : memref<32768xf32, #tpu.memory_space<vmem>>, vector<16xf32>,
    } else {
    }
    %add3A_13 = arith.constant 0 : i32
    %add3A_14 = arith.addi %mul3A_2, %add3A_13 : i32
    %dma_start3A_15 = tpu.memref_slice %arg4[%add3A_14] : memref<4194304xf32, #tpu.memory_space<hbm>> -> memref<32768xf32, #tpu.memory_space<hbm>>
    %dma_start3A_16 = tpu.memref_slice %arg4[%add3A_14] : memref<4194304xf32, #tpu.memory_space<hbm>> -> memref<32768xf32, #tpu.memory_space<hbm>>
    tpu.enqueue_dma source(%arg6 : memref<32768xf32, #tpu.memory_space<vmem>>) target(%dma_start3A_16 : memref<32768xf32, #tpu.memory_space<hbm>>) target_semaphore(%arg10 : memref<!tpu.dma_semaphore, #tpu.memory_space<semaphore_mem>>)
    %dma_wait3A_17 = tpu.memref_slice %arg4[%add3A_14] : memref<4194304xf32, #tpu.memory_space<hbm>> -> memref<32768xf32, #tpu.memory_space<hbm>>
    %dma_wait3A_18 = tpu.memref_slice %arg4[%add3A_14] : memref<4194304xf32, #tpu.memory_space<hbm>> -> memref<32768xf32, #tpu.memory_space<hbm>>
    tpu.wait_dma2 semaphore(%arg10 : memref<!tpu.dma_semaphore, #tpu.memory_space<semaphore_mem>>) src(%arg6 : memref<32768xf32, #tpu.memory_space<vmem>>) dst(%dma_wait3A_18 : memref<32768xf32, #tpu.memory_space<hbm>>)
    %add3A_19 = arith.constant 65536 : i32
    %add3A_20 = arith.addi %mul3A_2, %add3A_19 : i32
    %dma_start3A_21 = tpu.memref_slice %arg3[%add3A_20] : memref<4194304xf32, #tpu.memory_space<hbm>> -> memref<32768xf32, #tpu.memory_space<hbm>>
    %dma_start3A_22 = tpu.memref_slice %arg3[%add3A_20] : memref<4194304xf32, #tpu.memory_space<hbm>> -> memref<32768xf32, #tpu.memory_space<hbm>>
    tpu.enqueue_dma source(%dma_start3A_22 : memref<32768xf32, #tpu.memory_space<hbm>>) target(%arg6 : memref<32768xf32, #tpu.memory_space<vmem>>) target_semaphore(%arg8 : memref<!tpu.dma_semaphore, #tpu.memory_space<semaphore_mem>>)
    %dma_wait3A_23 = tpu.memref_slice %arg3[%add3A_7] : memref<4194304xf32, #tpu.memory_space<hbm>> -> memref<32768xf32, #tpu.memory_space<hbm>>
    %dma_wait3A_24 = tpu.memref_slice %arg3[%add3A_7] : memref<4194304xf32, #tpu.memory_space<hbm>> -> memref<32768xf32, #tpu.memory_space<hbm>>
    tpu.wait_dma2 semaphore(%arg9 : memref<!tpu.dma_semaphore, #tpu.memory_space<semaphore_mem>>) src(%dma_wait3A_24 : memref<32768xf32, #tpu.memory_space<hbm>>) dst(%arg7 : memref<32768xf32, #tpu.memory_space<vmem>>)
    %add3A_25 = arith.constant 32768 : i32
    %add3A_26 = arith.addi %mul3A_2, %add3A_25 : i32
    %dma_start3A_27 = tpu.memref_slice %arg4[%add3A_26] : memref<4194304xf32, #tpu.memory_space<hbm>> -> memref<32768xf32, #tpu.memory_space<hbm>>
    %dma_start3A_28 = tpu.memref_slice %arg4[%add3A_26] : memref<4194304xf32, #tpu.memory_space<hbm>> -> memref<32768xf32, #tpu.memory_space<hbm>>
    tpu.enqueue_dma source(%arg7 : memref<32768xf32, #tpu.memory_space<vmem>>) target(%dma_start3A_28 : memref<32768xf32, #tpu.memory_space<hbm>>) target_semaphore(%arg11 : memref<!tpu.dma_semaphore, #tpu.memory_space<semaphore_mem>>)
    %dma_wait3A_29 = tpu.memref_slice %arg4[%add3A_26] : memref<4194304xf32, #tpu.memory_space<hbm>> -> memref<32768xf32, #tpu.memory_space<hbm>>
    %dma_wait3A_30 = tpu.memref_slice %arg4[%add3A_26] : memref<4194304xf32, #tpu.memory_space<hbm>> -> memref<32768xf32, #tpu.memory_space<hbm>>
    tpu.wait_dma2 semaphore(%arg11 : memref<!tpu.dma_semaphore, #tpu.memory_space<semaphore_mem>>) src(%arg7 : memref<32768xf32, #tpu.memory_space<vmem>>) dst(%dma_wait3A_30 : memref<32768xf32, #tpu.memory_space<hbm>>)
    %add3A_31 = arith.constant 98304 : i32
    %add3A_32 = arith.addi %mul3A_2, %add3A_31 : i32
    %dma_start3A_33 = tpu.memref_slice %arg3[%add3A_32] : memref<4194304xf32, #tpu.memory_space<hbm>> -> memref<32768xf32, #tpu.memory_space<hbm>>
    %dma_start3A_34 = tpu.memref_slice %arg3[%add3A_32] : memref<4194304xf32, #tpu.memory_space<hbm>> -> memref<32768xf32, #tpu.memory_space<hbm>>
    tpu.enqueue_dma source(%dma_start3A_34 : memref<32768xf32, #tpu.memory_space<hbm>>) target(%arg7 : memref<32768xf32, #tpu.memory_space<vmem>>) target_semaphore(%arg9 : memref<!tpu.dma_semaphore, #tpu.memory_space<semaphore_mem>>)
    %dma_wait3A_35 = tpu.memref_slice %arg3[%add3A_20] : memref<4194304xf32, #tpu.memory_space<hbm>> -> memref<32768xf32, #tpu.memory_space<hbm>>
    %dma_wait3A_36 = tpu.memref_slice %arg3[%add3A_20] : memref<4194304xf32, #tpu.memory_space<hbm>> -> memref<32768xf32, #tpu.memory_space<hbm>>
    tpu.wait_dma2 semaphore(%arg8 : memref<!tpu.dma_semaphore, #tpu.memory_space<semaphore_mem>>) src(%dma_wait3A_36 : memref<32768xf32, #tpu.memory_space<hbm>>) dst(%arg6 : memref<32768xf32, #tpu.memory_space<vmem>>)
    %add3A_37 = arith.constant 65536 : i32
    %add3A_38 = arith.addi %mul3A_2, %add3A_37 : i32
    %dma_start3A_39 = tpu.memref_slice %arg4[%add3A_38] : memref<4194304xf32, #tpu.memory_space<hbm>> -> memref<32768xf32, #tpu.memory_space<hbm>>
    %dma_start3A_40 = tpu.memref_slice %arg4[%add3A_38] : memref<4194304xf32, #tpu.memory_space<hbm>> -> memref<32768xf32, #tpu.memory_space<hbm>>
    tpu.enqueue_dma source(%arg6 : memref<32768xf32, #tpu.memory_space<vmem>>) target(%dma_start3A_40 : memref<32768xf32, #tpu.memory_space<hbm>>) target_semaphore(%arg10 : memref<!tpu.dma_semaphore, #tpu.memory_space<semaphore_mem>>)
    %dma_wait3A_41 = tpu.memref_slice %arg3[%add3A_32] : memref<4194304xf32, #tpu.memory_space<hbm>> -> memref<32768xf32, #tpu.memory_space<hbm>>
    %dma_wait3A_42 = tpu.memref_slice %arg3[%add3A_32] : memref<4194304xf32, #tpu.memory_space<hbm>> -> memref<32768xf32, #tpu.memory_space<hbm>>
    tpu.wait_dma2 semaphore(%arg9 : memref<!tpu.dma_semaphore, #tpu.memory_space<semaphore_mem>>) src(%dma_wait3A_42 : memref<32768xf32, #tpu.memory_space<hbm>>) dst(%arg7 : memref<32768xf32, #tpu.memory_space<vmem>>)
    %add3A_43 = arith.constant 98304 : i32
    %add3A_44 = arith.addi %mul3A_2, %add3A_43 : i32
    %dma_start3A_45 = tpu.memref_slice %arg4[%add3A_44] : memref<4194304xf32, #tpu.memory_space<hbm>> -> memref<32768xf32, #tpu.memory_space<hbm>>
    %dma_start3A_46 = tpu.memref_slice %arg4[%add3A_44] : memref<4194304xf32, #tpu.memory_space<hbm>> -> memref<32768xf32, #tpu.memory_space<hbm>>
    tpu.enqueue_dma source(%arg7 : memref<32768xf32, #tpu.memory_space<vmem>>) target(%dma_start3A_46 : memref<32768xf32, #tpu.memory_space<hbm>>) target_semaphore(%arg11 : memref<!tpu.dma_semaphore, #tpu.memory_space<semaphore_mem>>)
    %dma_wait3A_47 = tpu.memref_slice %arg4[%add3A_38] : memref<4194304xf32, #tpu.memory_space<hbm>> -> memref<32768xf32, #tpu.memory_space<hbm>>
    %dma_wait3A_48 = tpu.memref_slice %arg4[%add3A_38] : memref<4194304xf32, #tpu.memory_space<hbm>> -> memref<32768xf32, #tpu.memory_space<hbm>>
    tpu.wait_dma2 semaphore(%arg10 : memref<!tpu.dma_semaphore, #tpu.memory_space<semaphore_mem>>) src(%arg6 : memref<32768xf32, #tpu.memory_space<vmem>>) dst(%dma_wait3A_48 : memref<32768xf32, #tpu.memory_space<hbm>>)
    %dma_wait3A_49 = tpu.memref_slice %arg4[%add3A_44] : memref<4194304xf32, #tpu.memory_space<hbm>> -> memref<32768xf32, #tpu.memory_space<hbm>>
    %dma_wait3A_50 = tpu.memref_slice %arg4[%add3A_44] : memref<4194304xf32, #tpu.memory_space<hbm>> -> memref<32768xf32, #tpu.memory_space<hbm>>
    tpu.wait_dma2 semaphore(%arg11 : memref<!tpu.dma_semaphore, #tpu.memory_space<semaphore_mem>>) src(%arg7 : memref<32768xf32, #tpu.memory_space<vmem>>) dst(%dma_wait3A_50 : memref<32768xf32, #tpu.memory_space<hbm>>)
    return
  }
}

</mosaic_0001>

<sc_bundles>
// kernel: kernel.3.cloned.1.call-start
scs
__scs_entry_jumppad:
0x0: {  	(pc) =	sbr.rel $0x88, $3  }
0x1: {  	(tag) =	ssettag $0x0;
	lr =	simm.s32 $0x1  }
0x2: {  	[smem:$0x3F9F] =	sst lr;
	_ =	strace $0xD0000000  }
0x3: {  	_ = 	snop  }
0x4: {  	_ = 	snop  }
0x5: {  	_ = 	snop  }
0x6: {  	_ = 	snop  }
0x7: {  	_ = 	snop  }
__scs_overlays_trampoline_lowered:
0x8: {  	[smem:$0x3FAE] =	sst s0  }
0x9: {  	[smem:$0x3FAF] =	sst s1  }
0xa: {  	[smem:$0x3FB0] =	sst s2  }
0xb: {  	[smem:$0x3FB1] =	sst s3  }
0xc: {  	[smem:$0x3FB2] =	sst s4  }
0xd: {  	[smem:$0x3FB3] =	sst s5  }
0xe: {  	[smem:$0x3FB4] =	sst s6  }
0xf: {  	[smem:$0x3FB5] =	sst s7  }
0x10: {  	[smem:$0x3FB6] =	sst s8  }
0x11: {  	[smem:$0x3FB7] =	sst s9;
	s0 =	simm.s32 @!p0 $0x0  }
0x12: {  	s1 =	sld [smem:$0x3F9D];
	s0 =	simm.s32 @p0 $0x1  }
0x13: {  	[smem:$0x3FB8] =	sst s0;
	s0 =	simm.s32 @!p1 $0x0  }
0x14: {  	s2 =	sld [smem:$0x3F9C];
	s0 =	simm.s32 @p1 $0x1  }
0x15: {  	[smem:$0x3FB9] =	sst s0;
	s0 =	simm.s32 @!p2 $0x0  }
0x16: {  	s3 =	sld [smem:$0x3FDB];
	s0 =	simm.s32 @p2 $0x1  }
0x17: {  	s4 =	simm.s32 $0x1BF5;
	[smem:$0x3FBB] =	sst s0  }
0x18: {  	s0 =	sld [smem:$0x3F9E];
	_ =	swait.ge [sflag:s4], $0x0  }
0x19: {  	s7 =	sld [smem:$0x3F9F]  }
0x1a: {  	s8 =	sadd.s32 $0xFFFFE003, lr  }
0x1b: {  	s9 =	sadd.s32 $0xFFFFFEF7, lr;
	s5 =	simm.s32 $0xFFFFFFFF;
	p2 =	slt.u32 s8, $0xFFFFF086  }
0x1c: {  	p1 =	slt.u32 s9, $0xF7A;
	s5 =	simm.s32 @!p2 $0x0  }
0x1d: {  	s5 =	simm.s32 @p1 $0x1;
	p0 =	seq.s32 s7, s2  }
0x1e: {  	s7 =	smul.u32 @!p0 $0xF7A, s2;
	p2 =	seq.s32 @!p0 s5, $0x0  }
0x1f: {  	s9 =	smul.u32 $0xF7A, s1;
	s8 =	simm.s32 @!p0 $0x1BF5;
	p2 =	por !p2, p0  }
0x20: {  	[sflag:s8] =	ssyncset.s32 @!p0 $0xFFFFF086;
	s6 =	sadd.s32 @!p0 s3, s7;
	s7 =	simm.s32 @!p0 $0x108  }
0x21: {  	s3 =	sadd.s32 s3, s9;
	s6 =	sadd.s32 @!p0 $0x88, s6;
	s7 =	simm.s32 @p2 $0x1082  }
0x22: {  	[simem:s7], [sflag:s8] =	dma.local @!p0 [hbm:s6], $0xF7A  }
0x23: {  	s9 =	sor.u32 $0xD0000000, s2;
	s6 =	simm.s32 $0x108;
	_ =	swait.ge @!p0 [sflag:s8], $0x0  }
0x24: {  	s3 =	sadd.s32 $0x88, s3;
	s6 =	simm.s32 @!p1 $0x1082;
	[sflag:s4] =	ssyncset.s32 $0xFFFFF086  }
0x25: {  	[simem:s6], [sflag:s4] =	dma.local [hbm:s3], $0xF7A  }
0x26: {  	[smem:$0x3F9F] =	sst s1;
	(tag) =	ssettag s2;
	_ =	strace s9  }
0x27: {  	s1 =	sld [smem:$0x3FAF]  }
0x28: {  	s2 =	sld [smem:$0x3FB0]  }
0x29: {  	s4 =	sld [smem:$0x3FB2]  }
0x2a: {  	p0 =	seq.s32 s5, $0x0;
	s5 =	sld [smem:$0x3FB3]  }
0x2b: {  	s6 =	sld [smem:$0x3FB4]  }
0x2c: {  	s7 =	sld [smem:$0x3FB5]  }
0x2d: {  	s3 =	simm.s32 $0x108;
	s8 =	sld [smem:$0x3FB6]  }
0x2e: {  	s3 =	simm.s32 @!p0 $0x1082;
	s9 =	sld [smem:$0x3FB7]  }
0x2f: {  	lr =	sadd.s32 s0, s3;
	s0 =	sld [smem:$0x3FAE]  }
0x30: {  	s3 =	sld [smem:$0x3FB1]  }
0x31: {  	[smem:$0x3FBA] =	sst s10  }
0x32: {  	s10 =	sld [smem:$0x3FB8];
	_ =	sdelay $0x3  }
0x33: {  	p0 =	seq.s32 s10, $0x1;
	s10 =	sld [smem:$0x3FBA];
	_ =	sdelay $0x3  }
0x34: {  	[smem:$0x3FBA] =	sst s10  }
0x35: {  	s10 =	sld [smem:$0x3FB9];
	_ =	sdelay $0x3  }
0x36: {  	p1 =	seq.s32 s10, $0x1;
	s10 =	sld [smem:$0x3FBA];
	_ =	sdelay $0x3  }
0x37: {  	[smem:$0x3FBA] =	sst s10  }
0x38: {  	s10 =	sld [smem:$0x3FBB]  }
0x39: {  	_ = 	snop;
	(pc) =	sbr.ind lr, $3  }
0x3a: {  	_ = 	snop  }
0x3b: {  	_ = 	snop  }
0x3c: {  	p2 =	seq.s32 s10, $0x1;
	s10 =	sld [smem:$0x3FBA]  }
0x3d: {  	_ =	shalt  }
0x3e: {  	_ =	shalt  }
0x3f: {  	_ =	shalt  }
0x40: {  	_ =	shalt  }
0x41: {  	_ =	shalt  }
0x42: {  	_ =	shalt  }
0x43: {  	_ =	shalt  }
0x44: {  	_ =	shalt  }
0x45: {  	_ =	shalt  }
0x46: {  	_ =	shalt  }
0x47: {  	_ =	shalt  }
0x48: {  	_ =	shalt  }
0x49: {  	_ =	shalt  }
0x4a: {  	_ =	shalt  }
0x4b: {  	_ =	shalt  }
0x4c: {  	_ =	shalt  }
0x4d: {  	_ =	shalt  }
0x4e: {  	_ =	shalt  }
0x4f: {  	_ =	shalt  }
0x50: {  	_ =	shalt  }
0x51: {  	_ =	shalt  }
0x52: {  	_ =	shalt  }
0x53: {  	_ =	shalt  }
0x54: {  	_ =	shalt  }
0x55: {  	_ =	shalt  }
0x56: {  	_ =	shalt  }
0x57: {  	_ =	shalt  }
0x58: {  	_ =	shalt  }
0x59: {  	_ =	shalt  }
0x5a: {  	_ =	shalt  }
0x5b: {  	_ =	shalt  }
0x5c: {  	_ =	shalt  }
0x5d: {  	_ =	shalt  }
0x5e: {  	_ =	shalt  }
0x5f: {  	_ =	shalt  }
0x60: {  	_ =	shalt  }
0x61: {  	_ =	shalt  }
0x62: {  	_ =	shalt  }
0x63: {  	_ =	shalt  }
0x64: {  	_ =	shalt  }
0x65: {  	_ =	shalt  }
0x66: {  	_ =	shalt  }
0x67: {  	_ =	shalt  }
0x68: {  	_ =	shalt  }
0x69: {  	_ =	shalt  }
0x6a: {  	_ =	shalt  }
0x6b: {  	_ =	shalt  }
0x6c: {  	_ =	shalt  }
0x6d: {  	_ =	shalt  }
0x6e: {  	_ =	shalt  }
0x6f: {  	_ =	shalt  }
0x70: {  	_ =	shalt  }
0x71: {  	_ =	shalt  }
0x72: {  	_ =	shalt  }
0x73: {  	_ =	shalt  }
0x74: {  	_ =	shalt  }
0x75: {  	_ =	shalt  }
0x76: {  	_ =	shalt  }
0x77: {  	_ =	shalt  }
0x78: {  	_ =	shalt  }
0x79: {  	_ =	shalt  }
0x7a: {  	_ =	shalt  }
0x7b: {  	_ =	shalt  }
0x7c: {  	_ =	shalt  }
0x7d: {  	_ =	shalt  }
0x7e: {  	_ =	shalt  }
0x7f: {  	_ =	shalt  }
0x80: {  	_ =	shalt  }
0x81: {  	_ =	shalt  }
0x82: {  	_ =	shalt  }
0x83: {  	_ =	shalt  }
0x84: {  	_ =	shalt  }
0x85: {  	_ =	shalt  }
0x86: {  	_ =	shalt  }
0x87: {  	_ =	shalt  }
.Lfunc_end0:
.L_simem_size_0:
called_computation_lowered:
.L_overlay_start_0:
0x88: {  	s2 =	sld [smem:$0x3FD9]  }
0x89: {  	s3 =	sld [smem:$0x3FFE];
	_ =	sdelay $0x1  }
0x8a: {  	s1 =	srdreg.scid  }
0x8b: {  	s0 =	sand.u32 $0x1, s1  }
0x8c: {  	s17 =	sshll.u32 s0, $0xA;
	s2 =	sadd.s32 s3, s2  }
0x8d: {  	s2 =	sadd.s32 s2, s17  }
0x8e: {  	[smem:$0x3FC6] =	sst s2  }
0x8f: {  	_ = 	snop  }
0x90: {  	s2 =	sld [smem:$0x3FC9]  }
0x91: {  	s18 =	sld [smem:$0x3FD0];
	(tm) =	ssettm $0x1  }
0x92: {  	s4 =	sld [smem:$0x3FFB];
	_ =	sdelay $0x3  }
0x93: {  	_ =	strace s4  }
0x94: {  	s4 =	sld [smem:$0x3FFC];
	_ =	sdelay $0x3  }
0x95: {  	_ =	strace s4  }
0x96: {  	s4 =	sld [smem:$0x3FFD];
	_ =	sdelay $0x3  }
0x97: {  	_ =	strace s4  }
0x98: {  	_ =	strace $0x8FFFFFFF  }
0x99: {  	s19 =	sld [smem:$0x3FDB];
	_ =	sdelay $0x1  }
0x9a: {  	s5 =	simm.s32 $_scs_section_size  }
0x9b: {  	s6 =	simm.s32 $_size__tile_overlayer_lowered;
	s7 =	simm.s32 $_tile_overlayer_lowered  }
0x9c: {  	s22 =	simm.s32 $0x1BFF;
	s21 =	sshll.u32 s7, $0x1;
	s4 =	sadd.s32 s5, s19  }
0x9d: {  	s8 =	simm.s32 $0x0;
	s20 =	sshll.u32 s6, $0x1;
	s6 =	sadd.s32 s21, s4  }
0x9e: {  	[timem:s8], [sflag:s22] =	dma.local [hbm:s6], s20  }
0x9f: {  	_ =	swait.ge [sflag:s22], s20  }
0xa0: {  	s5 =	ssub.s32 $0x0, s20;
	[sflag:s22] =	ssyncset.done $0x0  }
0xa1: {  	[sflag:s22] =	ssyncadd.s32 s5;
	_ =	sdelay $0x1  }
0xa2: {  	s23 =	simm.s32 $0x1B8B  }
0xa3: {  	_ =	swait.ge [sflag:s23], $0x1  }
0xa4: {  	[sflag:s23] =	ssyncset.done $0x0  }
0xa5: {  	s25 =	simm.s32 $0x1B8E;
	s24 =	sld [smem:$0x3FFE];
	[sflag:s23] =	ssyncadd.s32 $0xFFFFFFFF  }
0xa6: {  	s26 =	simm.s32 $execute0_lowered;
	[smem:$0x3FD2] =	sst s25  }
0xa7: {  	s6 =	sshll.u32 s26, $0x1;
	_ =	strace $0x80000046;
	[dreg:$0x1] =	wrdreg $0xFFFFFFFF  }
0xa8: {  	s28 =	simm.s32 $_size_execute0_lowered;
	s4 =	sadd.s32 s4, s6;
	[dreg:$0x0] =	wrdreg $0x0  }
0xa9: {  	s6 =	sshll.u32 s28, $0x1;
	[dreg:$0x2] =	wrdreg s4  }
0xaa: {  	[dreg:$0x3] =	wrdreg s6  }
0xab: {  	[dreg:$0x4] =	wrdreg $0xC0  }
0xac: {  	_ =	task [dreg:s8], $0x5FFFF  }
0xad: {  	[dreg:$0x1] =	wrdreg $0xFFFFFFFF  }
0xae: {  	[dreg:$0x0] =	wrdreg $0x60  }
0xaf: {  	[dreg:$0x2] =	wrdreg s24  }
0xb0: {  	[dreg:$0x3] =	wrdreg s2  }
0xb1: {  	[dreg:$0x4] =	wrdreg s18  }
0xb2: {  	[dreg:$0x5] =	wrdreg $0x9  }
0xb3: {  	_ =	task.clear_ibuf [dreg:s8], $0x6FFFF;
	_ =	strace $0x90000046  }
0xb4: {  	s29 =	simm.s32 $0x9;
	_ =	strace $0x80000048  }
0xb5: {  	_ =	swait.ge [sflag:s29], $0x1  }
0xb6: {  	[sflag:s29] =	ssyncadd.s32 $0xFFFFFFFF  }
0xb7: {  	_ =	strace $0x90000048  }
0xb8: {  	_ =	sfence  }
0xb9: {  	s30 =	sld [smem:$0x0];
	_ =	sdelay $0x2  }
0xba: {  	s31 =	sshll.u32 s1, $0xD;
	s1 =	sshrl.u32 s1, $0x2  }
0xbb: {  	s3 =	sand.u32 $0x4000, s31;
	s1 =	sadd.s32 s1, s30  }
0xbc: {  	s0 =	sor.u32 s3, s0;
	s1 =	sshll.u32 s1, $0x11  }
0xbd: {  	s0 =	sor.u32 s1, s0  }
0xbe: {  	s0 =	sadd.s32 $0x8F2B, s0  }
0xbf: {  	[sflag:s0] =	ssyncadd.remote.s32 $0x1  }
0xc0: {  	_ =	sfence.sel $0xFFFF  }
0xc1: {  	[dreg:$0x0] =	wrdreg $0xFFFFFFFF;
	(pc) =	sbr.abs _section_cstart, $3  }
0xc2: {  	[dreg:$0x1] =	wrdreg $0xFFFFFFFF  }
0xc3: {  	_ =	task.clear_ibuf [dreg:s8], $0x2FFFF;
	_ =	strace $0x9FFFFFFF  }
0xc4: {  	(tm) =	ssettm $0x7FFFFFFF  }
0xc5: {  	_ =	shalt  }
tec
execute0_lowered:
.L_overlay_start_1:
0x0: {  	(tag) =	ssettag $0x1  }
0x1: {  	s3 =	rddreg [dreg:$0x0]  }
0x2: {  	s16 =	rddreg [dreg:$0x1]  }
0x3: {  	s18 =	rddreg [dreg:$0x2]  }
0x4: {  	s0 =	rddreg [dreg:$0x3];
	s2 =	simm.s32 $0x0;
	s1 =	srdreg.scid  }
0x5: {  	[smem:$0x7FF] =	sst s2;
	s19 =	sand.u32 $0x1, s1  }
0x6: {  	s1 =	stileid.u32;
	s3 =	sadd.s32 $0xA00, s3;
	s4 =	sshll.u32 s19, $0x4  }
0x7: {  	_ =	strace $0x80000047;
	s10 =	sor.u32 s1, s4;
	s4 =	simm.s32 $0x5  }
0x8: {  	[tilespmem:s2], [sflag:$0x5] =	stream.linear.gather [hbm4b:s3+s2], $0x80, $0x38;
	[tilespmem:$0x10080] =	vst v63  }
0x9: {  	_ =	swait.ge [sflag:s4], $0x80  }
0xa: {  	s6 =	simm.s32 $0x80;
	s17 =	sshll.u32 s10, $0xE;
	[sflag:s4] =	ssyncset.done $0x0  }
0xb: {  	s5 =	sadd.s32 s16, s17;
	s14 =	sor.u32 $0x1000, s17;
	[sflag:s4] =	ssyncadd.s32 $0xFFFFFF80  }
0xc: {  	[tilespmem:s6], [sflag:$0x1] =	stream.linear.gather [hbm4b:s5+s2], $0x8000, $0x38;
	[tilespmem:$0x10080] =	vst v63  }
0xd: {  	s8 =	simm.s32 $0x8080;
	s9 =	simm.s32 $0x1;
	s7 =	sadd.s32 s16, s14  }
0xe: {  	[tilespmem:s8], [sflag:$0x2] =	stream.linear.gather [hbm4b:s7+s2], $0x8000, $0x38;
	[tilespmem:$0x10080] =	vst v63  }
0xf: {  	_ =	swait.ge [sflag:s9], $0x8000  }
0x10: {  	[sflag:s9] =	ssyncset.done $0x0  }
0x11: {  	p0 =	sne.s32 s10, $0x0;
	[sflag:s9] =	ssyncadd.s32 $0xFFFF8000  }
0x12: {  	v1 =	vld @!p0 [tilespmem:$0x10];
	_ =	sdelay $0x2  }
0x13: {  	vm0 =	vcmask @!p0 $0x300;
	v0 =	vimm.f32 @!p0 $1.000000000e+00  }
0x14: {  	v0 =	vsel @!p0 vm0, $0x48C35000, v0  }
0x15: {  	v1 =	vmul.f32 @!p0 v0, v1;
	_ =	sdelay $0x1  }
0x16: {  	(erf) = vrcp.f32 @!p0 v1;
	_ =	sdelay $0x4  }
0x17: {  	v1 =	vld @!p0 [tilespmem:$0x0];
	_ =	sdelay $0x3  }
0x18: {  	v2 =	vld @!p0 [tilespmem:$0x80];
	v3 =	vpop @!p0 (erf)  }
0x19: {  	vm0 =	vcmask @!p0 $0x704;
	v3 =	vmul.f32 @!p0 v3, v1;
	v1 =	vimm.f32 @!p0 $1.000000050e-03  }
0x1a: {  	v1 =	vsel @!p0 vm0, $0x3F800000, v1  }
0x1b: {  	v3 =	vmul.f32 @!p0 v1, v3  }
0x1c: {  	vm0 =	vmmov @!p0 $0x3  }
0x1d: {  	v2 =	vsel @!p0 vm0, v3, v2  }
0x1e: {  	s11 =	simm.s32 $0x3;
	s10 =	sadd.s32 s18, s17;
	[tilespmem:$0x80] =	vst @!p0 v2  }
0x1f: {  	[hbm4b:s10+s2] =	stream.linear.scatter [tilespmem:s6], [sflag:$0x3], $0x8000, $0x38;
	[tilespmem:$0x10080] =	vst v63  }
0x20: {  	_ =	swait.ge [sflag:s11], $0x8000  }
0x21: {  	s20 =	sor.u32 $0x2000, s17;
	[sflag:s11] =	ssyncset.done $0x0  }
0x22: {  	s13 =	simm.s32 $0x2;
	s12 =	sadd.s32 s16, s20;
	[sflag:s11] =	ssyncadd.s32 $0xFFFF8000  }
0x23: {  	[tilespmem:s6], [sflag:$0x1] =	stream.linear.gather [hbm4b:s12+s2], $0x8000, $0x38;
	[tilespmem:$0x10080] =	vst v63  }
0x24: {  	_ =	swait.ge [sflag:s13], $0x8000  }
0x25: {  	[sflag:s13] =	ssyncset.done $0x0  }
0x26: {  	s15 =	sadd.s32 s18, s14;
	s14 =	simm.s32 $0x4;
	[sflag:s13] =	ssyncadd.s32 $0xFFFF8000  }
0x27: {  	[hbm4b:s15+s2] =	stream.linear.scatter [tilespmem:s8], [sflag:$0x4], $0x8000, $0x38;
	[tilespmem:$0x10080] =	vst v63  }
0x28: {  	_ =	swait.ge [sflag:s14], $0x8000  }
0x29: {  	s21 =	sor.u32 $0x3000, s17;
	[sflag:s14] =	ssyncset.done $0x0  }
0x2a: {  	s16 =	sadd.s32 s16, s21;
	[sflag:s14] =	ssyncadd.s32 $0xFFFF8000  }
0x2b: {  	[tilespmem:s8], [sflag:$0x2] =	stream.linear.gather [hbm4b:s16+s2], $0x8000, $0x38;
	[tilespmem:$0x10080] =	vst v63  }
0x2c: {  	s19 =	ssub.s32 $0x2, s19;
	_ =	swait.ge [sflag:s9], $0x8000  }
0x2d: {  	s31 =	sshrl.u32 s19, $0x1;
	[sflag:s9] =	ssyncset.done $0x0  }
0x2e: {  	s19 =	ssub.s32 s19, s31;
	s17 =	sadd.s32 s18, s20;
	[sflag:s9] =	ssyncadd.s32 $0xFFFF8000  }
0x2f: {  	[hbm4b:s17+s2] =	stream.linear.scatter [tilespmem:s6], [sflag:$0x3], $0x8000, $0x38;
	[tilespmem:$0x10080] =	vst v63  }
0x30: {  	s19 =	smax.u32 s19, $0x1;
	_ =	swait.ge [sflag:s13], $0x8000  }
0x31: {  	s19 =	sadd.s32 $0xFFFFFFFF, s19;
	[sflag:s13] =	ssyncset.done $0x0  }
0x32: {  	s18 =	sadd.s32 s18, s21;
	p1 =	sne.s32 s19, $0x0;
	[sflag:s13] =	ssyncadd.s32 $0xFFFF8000  }
0x33: {  	[hbm4b:s18+s2] =	stream.linear.scatter [tilespmem:s8], [sflag:$0x4], $0x8000, $0x38;
	[tilespmem:$0x10080] =	vst v63  }
.Ltmp0:
0x34: {  	_ =	swait.ge [sflag:s11], $0x8000;
	(pc) =	sbr.rel @!p1 .LBB2_2-.Ltmp0, $4  }
0x35: {  	[sflag:s11] =	ssyncset.done $0x0  }
0x36: {  	[sflag:s11] =	ssyncadd.s32 $0xFFFF8000  }
0x37: {  	_ =	swait.ge [sflag:s14], $0x8000  }
0x38: {  	[sflag:s14] =	ssyncset.done $0x0  }
.LBB2_1:
0x39: {  	s19 =	sadd.s32 $0xFFFFFFFF, s19;
	[sflag:s14] =	ssyncadd.s32 $0xFFFF8000  }
0x3a: {  	[tilespmem:s2], [sflag:$0x5] =	stream.linear.gather [hbm4b:s3+s2], $0x80, $0x38;
	[tilespmem:$0x10080] =	vst v63  }
0x3b: {  	p1 =	sne.s32 s19, $0x0;
	_ =	swait.ge [sflag:s4], $0x80  }
0x3c: {  	[sflag:s4] =	ssyncset.done $0x0  }
0x3d: {  	[sflag:s4] =	ssyncadd.s32 $0xFFFFFF80  }
0x3e: {  	[tilespmem:s6], [sflag:$0x1] =	stream.linear.gather [hbm4b:s5+s2], $0x8000, $0x38;
	[tilespmem:$0x10080] =	vst v63  }
0x3f: {  	_ = 	snop  }
0x40: {  	[tilespmem:s8], [sflag:$0x2] =	stream.linear.gather [hbm4b:s7+s2], $0x8000, $0x38;
	[tilespmem:$0x10080] =	vst v63  }
0x41: {  	_ =	swait.ge [sflag:s9], $0x8000  }
0x42: {  	[sflag:s9] =	ssyncset.done $0x0  }
0x43: {  	[sflag:s9] =	ssyncadd.s32 $0xFFFF8000  }
0x44: {  	v2 =	vld @!p0 [tilespmem:$0x10];
	_ =	sdelay $0x4  }
0x45: {  	v2 =	vmul.f32 @!p0 v0, v2;
	_ =	sdelay $0x1  }
0x46: {  	(erf) = vrcp.f32 @!p0 v2;
	_ =	sdelay $0x4  }
0x47: {  	v2 =	vld @!p0 [tilespmem:$0x0];
	_ =	sdelay $0x3  }
0x48: {  	v3 =	vld @!p0 [tilespmem:$0x80];
	v4 =	vpop @!p0 (erf)  }
0x49: {  	v2 =	vmul.f32 @!p0 v4, v2;
	_ =	sdelay $0x1  }
0x4a: {  	v2 =	vmul.f32 @!p0 v1, v2;
	_ =	sdelay $0x1  }
0x4b: {  	v2 =	vsel @!p0 vm0, v2, v3  }
0x4c: {  	[tilespmem:$0x80] =	vst @!p0 v2  }
0x4d: {  	[hbm4b:s10+s2] =	stream.linear.scatter [tilespmem:s6], [sflag:$0x3], $0x8000, $0x38;
	[tilespmem:$0x10080] =	vst v63  }
0x4e: {  	_ =	swait.ge [sflag:s11], $0x8000  }
0x4f: {  	[sflag:s11] =	ssyncset.done $0x0  }
0x50: {  	[sflag:s11] =	ssyncadd.s32 $0xFFFF8000  }
0x51: {  	[tilespmem:s6], [sflag:$0x1] =	stream.linear.gather [hbm4b:s12+s2], $0x8000, $0x38;
	[tilespmem:$0x10080] =	vst v63  }
0x52: {  	_ =	swait.ge [sflag:s13], $0x8000  }
0x53: {  	[sflag:s13] =	ssyncset.done $0x0  }
0x54: {  	[sflag:s13] =	ssyncadd.s32 $0xFFFF8000  }
0x55: {  	[hbm4b:s15+s2] =	stream.linear.scatter [tilespmem:s8], [sflag:$0x4], $0x8000, $0x38;
	[tilespmem:$0x10080] =	vst v63  }
0x56: {  	_ =	swait.ge [sflag:s14], $0x8000  }
0x57: {  	[sflag:s14] =	ssyncset.done $0x0  }
0x58: {  	[sflag:s14] =	ssyncadd.s32 $0xFFFF8000  }
0x59: {  	[tilespmem:s8], [sflag:$0x2] =	stream.linear.gather [hbm4b:s16+s2], $0x8000, $0x38;
	[tilespmem:$0x10080] =	vst v63  }
0x5a: {  	_ =	swait.ge [sflag:s9], $0x8000  }
0x5b: {  	[sflag:s9] =	ssyncset.done $0x0  }
0x5c: {  	[sflag:s9] =	ssyncadd.s32 $0xFFFF8000  }
0x5d: {  	[hbm4b:s17+s2] =	stream.linear.scatter [tilespmem:s6], [sflag:$0x3], $0x8000, $0x38;
	[tilespmem:$0x10080] =	vst v63  }
0x5e: {  	_ =	swait.ge [sflag:s13], $0x8000  }
0x5f: {  	[sflag:s13] =	ssyncset.done $0x0  }
0x60: {  	[sflag:s13] =	ssyncadd.s32 $0xFFFF8000  }
0x61: {  	[hbm4b:s18+s2] =	stream.linear.scatter [tilespmem:s8], [sflag:$0x4], $0x8000, $0x38;
	[tilespmem:$0x10080] =	vst v63  }
.Ltmp1:
0x62: {  	_ =	swait.ge [sflag:s11], $0x8000;
	(pc) =	sbr.rel @p1 .LBB2_1-.Ltmp1, $4  }
0x63: {  	[sflag:s11] =	ssyncset.done $0x0  }
0x64: {  	[sflag:s11] =	ssyncadd.s32 $0xFFFF8000  }
0x65: {  	_ =	swait.ge [sflag:s14], $0x8000  }
0x66: {  	[sflag:s14] =	ssyncset.done $0x0  }
.LBB2_2:
0x67: {  	[sflag:s14] =	ssyncadd.s32 $0xFFFF8000  }
0x68: {  	_ =	sfence.sel $0x180000  }
0x69: {  	[bflag:$0x0] =	sbarrier.arrive $0xFFFF  }
0x6a: {  	p0 =	sne.s32 s1, $0x0;
	_ =	strace $0x90000047  }
0x6b: {  	s0 =	sadd.s32 @!p0 $0x100000, s0;
	[bflag:$0x2] =	sbarrier.arrive $0xFFFF  }
0x6c: {  	[sflag:s0] =	ssyncadd.tile.s32 @!p0 $0x1;
	_ =	shalt  }
.Lfunc_end2:
_tile_overlayer_lowered:
.L_overlay_start_2:
0x6d: {  	(tag) =	ssettag $0x2  }
0x6e: {  	s0 =	rddreg [dreg:$0x0];
	s2 =	stileid.u32  }
0x6f: {  	s1 =	rddreg [dreg:$0x1];
	p0 =	sne.s32 s2, $0x0  }
0x70: {  	s3 =	rddreg [dreg:$0x2];
	[bflag:$0x3] =	sbarrier.arrive $0xFFFF;
	s2 =	simm.s32 @!p0 $0x1C06  }
0x71: {  	[timem:s3], [sflag:s2] =	dma.local @!p0 [hbm:s0], s1  }
0x72: {  	s0 =	simm.s32 @!p0 $0x6  }
0x73: {  	_ =	swait.ge @!p0 [sflag:s0], s1  }
0x74: {  	s1 =	ssub.s32 @!p0 $0x0, s1;
	[sflag:s0] =	ssyncset.done @!p0 $0x0  }
0x75: {  	[sflag:s0] =	ssyncadd.s32 @!p0 s1  }
0x76: {  	[bflag:$0x3] =	sbarrier.arrive $0xFFFF  }
0x77: {  	_ =	shalt  }

</sc_bundles>
